<compile_context>
chip_gen: v7x
topology: tpu7x:2x2x1
jax: 0.10.2.dev20260603
libtpu: 0.0.44.dev20260713+nightly
codegen_flags: <defaults>
</compile_context>

<pallas_src>
import functools

import jax
import jax.numpy as jnp
from jax import lax
from jax.experimental import pallas as pl
from jax.experimental.pallas import tpu as pltpu
from jax.experimental.pallas import tpu_sc as plsc

B = 16384
D = 64
D2 = 2 * D
R = 1000000
NG = 4 * B
NC, NS = 2, 16
NW = NC * NS
ROWS_PER_W = NG // NW
CHUNK = 256
N_CHUNK = ROWS_PER_W // CHUNK

_sc_mesh = plsc.VectorSubcoreMesh(core_axis_name="c", subcore_axis_name="s")


@functools.partial(
    pl.kernel,
    mesh=_sc_mesh,
    out_type=jax.ShapeDtypeStruct((NG, D2), jnp.float32),
    scratch_types=[
        pltpu.VMEM((ROWS_PER_W,), jnp.int32),
        pltpu.VMEM((CHUNK, D2), jnp.float32),
        pltpu.VMEM((CHUNK, D2), jnp.float32),
        pltpu.SemaphoreType.DMA,
        pltpu.SemaphoreType.DMA,
    ],
)
def _sc_gather(table_hbm, idx_hbm, out_hbm, idx_v, rows_v0, rows_v1,
               sem0, sem1):
    wid = lax.axis_index("s") * NC + lax.axis_index("c")
    base = wid * ROWS_PER_W
    pltpu.sync_copy(idx_hbm.at[pl.ds(base, ROWS_PER_W)], idx_v)

    bufs = (rows_v0, rows_v1)
    sems = (sem0, sem1)

    def start(c):
        pltpu.async_copy(
            table_hbm.at[idx_v.at[pl.ds(c * CHUNK, CHUNK)]],
            bufs[c % 2], sems[c % 2])

    start(0)
    for c in range(N_CHUNK):
        if c + 1 < N_CHUNK:
            start(c + 1)
        pltpu.make_async_copy(
            table_hbm.at[idx_v.at[pl.ds(c * CHUNK, CHUNK)]],
            bufs[c % 2], sems[c % 2]).wait()
        pltpu.sync_copy(bufs[c % 2],
                        out_hbm.at[pl.ds(base + c * CHUNK, CHUNK)])


TW = 8192
NT = (R + TW - 1) // TW


def _tr_body(xt_ref, out_ref):
    x = xt_ref[...]
    out_ref[:, :D] = jnp.transpose(x)


_tr_call = pl.pallas_call(
    _tr_body,
    grid=(NT,),
    in_specs=[pl.BlockSpec((D, TW), lambda i: (0, i))],
    out_specs=pl.BlockSpec((TW, D2), lambda i: (i, 0)),
    out_shape=jax.ShapeDtypeStruct((NT * TW, D2), jnp.float32),
)


BB = 2048
NB = B // BB


def _loss_body(pos_ref, neg_ref, p0_ref, p1_ref, pr_ref, out_ref):
    pos = pos_ref[:, :D]
    neg = neg_ref[:, :D]
    ps = p0_ref[:, :D] + p1_ref[:, :D]
    pos_n = jnp.sum(jnp.abs(pos - ps), axis=1)
    neg_n = jnp.sum(jnp.abs(neg - ps), axis=1)
    pr = pr_ref[...][:, 0]
    diff = 1.0 + pr * pos_n - neg_n
    part = jnp.sum(jnp.maximum(diff, 0.0))

    @pl.when(pl.program_id(0) == 0)
    def _():
        out_ref[0, 0] = 0.0

    out_ref[0, 0] += part


_loss_call = pl.pallas_call(
    _loss_body,
    grid=(NB,),
    in_specs=[
        pl.BlockSpec((BB, D2), lambda i: (i, 0)),
        pl.BlockSpec((BB, D2), lambda i: (i + NB, 0)),
        pl.BlockSpec((BB, D2), lambda i: (i + 2 * NB, 0)),
        pl.BlockSpec((BB, D2), lambda i: (i + 3 * NB, 0)),
        pl.BlockSpec((BB, 1), lambda i: (i, 0)),
    ],
    out_specs=pl.BlockSpec((1, 1), lambda i: (0, 0),
                           memory_space=pltpu.SMEM),
    out_shape=jax.ShapeDtypeStruct((1, 1), jnp.float32),
)


def kernel(rel, rel_neg, path_rel, pr, relation_emb):
    idx = jnp.concatenate([
        rel.astype(jnp.int32),
        rel_neg.astype(jnp.int32),
        path_rel[:, 0].astype(jnp.int32),
        path_rel[:, 1].astype(jnp.int32),
    ])
    table2 = _tr_call(relation_emb.T)
    gathered = _sc_gather(table2, idx)
    out = _loss_call(gathered, gathered, gathered, gathered,
                     pr.reshape(B, 1))
    return out[0, 0]

# --- scband reference (transcript-rebuilt; emitter-appended) ---
"""Pipeline reference for scband-path-train-67070209295018 (READ-ONLY COPY).

The authoritative reference and input builder live on the scoring server;
editing this copy changes nothing except your own understanding.
"""

import jax, jax.numpy as jnp
import numpy as np

GAMMA = 1.0

def setup_inputs(seed: int = 0) -> dict:
    key = jax.random.key(seed)
    k1, k2, k3, k4, k5 = jax.random.split(key, 5)
    B = 16384
    R = 1000000
    D = 64
    L = 2
    rel = jax.random.randint(k1, (B,), 0, R, dtype=jnp.int64) if jax.config.jax_enable_x64 else jax.random.randint(k1, (B,), 0, R).astype(jnp.int32)
    rel_neg = jax.random.randint(k2, (B,), 0, R).astype(rel.dtype)
    path_rel = jax.random.randint(k3, (B, L), 0, R).astype(rel.dtype)
    pr = jax.random.uniform(k4, (B,), dtype=jnp.float32)
    relation_emb = jax.random.normal(k5, (R, D), dtype=jnp.float32)
    # pathTrain.__init__ L2-normalizes relation embedding rows
    norm = jnp.linalg.norm(relation_emb, axis=1, keepdims=True)
    relation_emb = relation_emb / norm
    return {"rel": rel, "rel_neg": rel_neg, "path_rel": path_rel, "pr": pr, "relation_emb": relation_emb}

def reference(rel, rel_neg, path_rel, pr, relation_emb):
    # Batched, tensorized version of pathTrain.forward's inner loop:
    # calc_path: rel_emb[rel] - sum of path relation embeddings
    pos_e = jnp.take(relation_emb, rel, axis=0)            # [B, D] gather
    neg_e = jnp.take(relation_emb, rel_neg, axis=0)        # [B, D] gather
    path_e = jnp.take(relation_emb, path_rel, axis=0)      # [B, L, D] gather
    path_sum = jnp.sum(path_e, axis=1)                     # [B, D]
    pos_dis = pos_e - path_sum
    neg_dis = neg_e - path_sum
    # calculate_loss with d_norm=1 (L1 norm over dim=1)
    pos_n = jnp.sum(jnp.abs(pos_dis), axis=1)
    neg_n = jnp.sum(jnp.abs(neg_dis), axis=1)
    # pr plays the role of pr * pr_path confidence weight
    distance_diff = GAMMA + pr * pos_n - neg_n
    res = jnp.sum(jax.nn.relu(distance_diff))
    return res

if __name__ == "__main__":
    import jax
    _d = setup_inputs()
    print(jax.jit(kernel)(*tuple(_d.values())))

</pallas_src>

<mosaic_0001>
#map = affine_map<(d0, d1) -> (0, 0)>
#map1 = affine_map<(d0, d1) -> (0)>
module attributes {stable_mosaic.version = 14 : i64} {
  func.func @_sc_gather(%arg0: i32, %arg1: i32, %arg2: memref<1007616x128xf32, #tpu.memory_space<hbm>>, %arg3: memref<65536xi32, #tpu.memory_space<hbm>>, %arg4: memref<65536x128xf32, #tpu.memory_space<hbm>>, %arg5: memref<2048xi32, #tpu.memory_space<vmem>>, %arg6: memref<256x128xf32, #tpu.memory_space<vmem>>, %arg7: memref<256x128xf32, #tpu.memory_space<vmem>>, %arg8: memref<!tpu.dma_semaphore, #tpu.memory_space<semaphore_mem>>, %arg9: memref<!tpu.dma_semaphore, #tpu.memory_space<semaphore_mem>>) attributes {dimension_semantics = [#tpu.dimension_semantics<core_parallel>, #tpu.dimension_semantics<subcore_parallel>], iteration_bounds = array<i64: 2, 16>, scalar_prefetch = 0 : i64, scratch_operands = 5 : i64, tpu.core_type = #tpu.core_type<sc_vector_subcore>, window_params = [{transform_indices = #map}, {transform_indices = #map1}, {transform_indices = #map}]} {
    %mul3A = arith.constant 2 : i32
    %mul3A_0 = arith.muli %arg1, %mul3A : i32
    %add3A = arith.addi %mul3A_0, %arg0 : i32
    %mul3A_1 = arith.constant 2048 : i32
    %mul3A_2 = arith.muli %add3A, %mul3A_1 : i32
    "tpu.region"() ({
      %run_scoped3A = tpu.sem_alloc : memref<!tpu.dma_semaphore, #tpu.memory_space<semaphore_mem>>
      %dma_start3A_97 = tpu.memref_slice %arg3[%mul3A_2] : memref<65536xi32, #tpu.memory_space<hbm>> -> memref<2048xi32, #tpu.memory_space<hbm>>
      %dma_start3A_98 = tpu.memref_slice %arg3[%mul3A_2] : memref<65536xi32, #tpu.memory_space<hbm>> -> memref<2048xi32, #tpu.memory_space<hbm>>
      tpu.enqueue_dma source(%dma_start3A_98 : memref<2048xi32, #tpu.memory_space<hbm>>) target(%arg5 : memref<2048xi32, #tpu.memory_space<vmem>>) target_semaphore(%run_scoped3A : memref<!tpu.dma_semaphore, #tpu.memory_space<semaphore_mem>>)
      %dma_wait3A_99 = tpu.memref_slice %arg3[%mul3A_2] : memref<65536xi32, #tpu.memory_space<hbm>> -> memref<2048xi32, #tpu.memory_space<hbm>>
      %dma_wait3A_100 = tpu.memref_slice %arg3[%mul3A_2] : memref<65536xi32, #tpu.memory_space<hbm>> -> memref<2048xi32, #tpu.memory_space<hbm>>
      tpu.wait_dma2 semaphore(%run_scoped3A : memref<!tpu.dma_semaphore, #tpu.memory_space<semaphore_mem>>) src(%dma_wait3A_100 : memref<2048xi32, #tpu.memory_space<hbm>>) dst(%arg5 : memref<2048xi32, #tpu.memory_space<vmem>>)
      tpu.yield
    }) : () -> ()
    %dma_start3A = arith.constant 0 : i32
    %dma_start3A_3 = tpu.memref_slice %arg5[%dma_start3A] : memref<2048xi32, #tpu.memory_space<vmem>> -> memref<256xi32, #tpu.memory_space<vmem>>
    %dma_start3A_4 = arith.constant 0 : i32
    %dma_start3A_5 = arith.constant 0 : i32
    %dma_start3A_6 = tpu.memref_slice %arg2[%dma_start3A_4, %dma_start3A_5] : memref<1007616x128xf32, #tpu.memory_space<hbm>> -> memref<1007616x128xf32, #tpu.memory_space<hbm>>
    tpu.enqueue_indirect_dma source(%dma_start3A_6 : memref<1007616x128xf32, #tpu.memory_space<hbm>>) target(%arg6 : memref<256x128xf32, #tpu.memory_space<vmem>>) offsets(%dma_start3A_3 : memref<256xi32, #tpu.memory_space<vmem>>) semaphore(%arg8 : memref<!tpu.dma_semaphore, #tpu.memory_space<semaphore_mem>>)
    %dma_start3A_7 = arith.constant 256 : i32
    %dma_start3A_8 = tpu.memref_slice %arg5[%dma_start3A_7] : memref<2048xi32, #tpu.memory_space<vmem>> -> memref<256xi32, #tpu.memory_space<vmem>>
    %dma_start3A_9 = arith.constant 0 : i32
    %dma_start3A_10 = arith.constant 0 : i32
    %dma_start3A_11 = tpu.memref_slice %arg2[%dma_start3A_9, %dma_start3A_10] : memref<1007616x128xf32, #tpu.memory_space<hbm>> -> memref<1007616x128xf32, #tpu.memory_space<hbm>>
    tpu.enqueue_indirect_dma source(%dma_start3A_11 : memref<1007616x128xf32, #tpu.memory_space<hbm>>) target(%arg7 : memref<256x128xf32, #tpu.memory_space<vmem>>) offsets(%dma_start3A_8 : memref<256xi32, #tpu.memory_space<vmem>>) semaphore(%arg9 : memref<!tpu.dma_semaphore, #tpu.memory_space<semaphore_mem>>)
    %dma_wait3A = arith.constant 0 : i32
    %dma_wait3A_12 = tpu.memref_slice %arg5[%dma_wait3A] : memref<2048xi32, #tpu.memory_space<vmem>> -> memref<256xi32, #tpu.memory_space<vmem>>
    %dma_wait3A_13 = arith.constant 0 : i32
    %dma_wait3A_14 = arith.constant 0 : i32
    %dma_wait3A_15 = tpu.memref_slice %arg2[%dma_wait3A_13, %dma_wait3A_14] : memref<1007616x128xf32, #tpu.memory_space<hbm>> -> memref<1007616x128xf32, #tpu.memory_space<hbm>>
    tpu.wait_indirect_dma semaphore(%arg8 : memref<!tpu.dma_semaphore, #tpu.memory_space<semaphore_mem>>) src(%dma_wait3A_15 : memref<1007616x128xf32, #tpu.memory_space<hbm>>) dst(%arg6 : memref<256x128xf32, #tpu.memory_space<vmem>>)
    %add3A_16 = arith.constant 0 : i32
    %add3A_17 = arith.addi %mul3A_2, %add3A_16 : i32
    "tpu.region"() ({
      %run_scoped3A = tpu.sem_alloc : memref<!tpu.dma_semaphore, #tpu.memory_space<semaphore_mem>>
      %dma_start3A_97 = arith.constant 0 : i32
      %dma_start3A_98 = tpu.memref_slice %arg4[%add3A_17, %dma_start3A_97] : memref<65536x128xf32, #tpu.memory_space<hbm>> -> memref<256x128xf32, #tpu.memory_space<hbm>>
      %dma_start3A_99 = arith.constant 0 : i32
      %dma_start3A_100 = tpu.memref_slice %arg4[%add3A_17, %dma_start3A_99] : memref<65536x128xf32, #tpu.memory_space<hbm>> -> memref<256x128xf32, #tpu.memory_space<hbm>>
      tpu.enqueue_dma source(%arg6 : memref<256x128xf32, #tpu.memory_space<vmem>>) target(%dma_start3A_100 : memref<256x128xf32, #tpu.memory_space<hbm>>) target_semaphore(%run_scoped3A : memref<!tpu.dma_semaphore, #tpu.memory_space<semaphore_mem>>)
      %dma_wait3A_101 = arith.constant 0 : i32
      %dma_wait3A_102 = tpu.memref_slice %arg4[%add3A_17, %dma_wait3A_101] : memref<65536x128xf32, #tpu.memory_space<hbm>> -> memref<256x128xf32, #tpu.memory_space<hbm>>
      %dma_wait3A_103 = arith.constant 0 : i32
      %dma_wait3A_104 = tpu.memref_slice %arg4[%add3A_17, %dma_wait3A_103] : memref<65536x128xf32, #tpu.memory_space<hbm>> -> memref<256x128xf32, #tpu.memory_space<hbm>>
      tpu.wait_dma2 semaphore(%run_scoped3A : memref<!tpu.dma_semaphore, #tpu.memory_space<semaphore_mem>>) src(%arg6 : memref<256x128xf32, #tpu.memory_space<vmem>>) dst(%dma_wait3A_104 : memref<256x128xf32, #tpu.memory_space<hbm>>)
      tpu.yield
    }) : () -> ()
    %dma_start3A_18 = arith.constant 512 : i32
    %dma_start3A_19 = tpu.memref_slice %arg5[%dma_start3A_18] : memref<2048xi32, #tpu.memory_space<vmem>> -> memref<256xi32, #tpu.memory_space<vmem>>
    %dma_start3A_20 = arith.constant 0 : i32
    %dma_start3A_21 = arith.constant 0 : i32
    %dma_start3A_22 = tpu.memref_slice %arg2[%dma_start3A_20, %dma_start3A_21] : memref<1007616x128xf32, #tpu.memory_space<hbm>> -> memref<1007616x128xf32, #tpu.memory_space<hbm>>
    tpu.enqueue_indirect_dma source(%dma_start3A_22 : memref<1007616x128xf32, #tpu.memory_space<hbm>>) target(%arg6 : memref<256x128xf32, #tpu.memory_space<vmem>>) offsets(%dma_start3A_19 : memref<256xi32, #tpu.memory_space<vmem>>) semaphore(%arg8 : memref<!tpu.dma_semaphore, #tpu.memory_space<semaphore_mem>>)
    %dma_wait3A_23 = arith.constant 256 : i32
    %dma_wait3A_24 = tpu.memref_slice %arg5[%dma_wait3A_23] : memref<2048xi32, #tpu.memory_space<vmem>> -> memref<256xi32, #tpu.memory_space<vmem>>
    %dma_wait3A_25 = arith.constant 0 : i32
    %dma_wait3A_26 = arith.constant 0 : i32
    %dma_wait3A_27 = tpu.memref_slice %arg2[%dma_wait3A_25, %dma_wait3A_26] : memref<1007616x128xf32, #tpu.memory_space<hbm>> -> memref<1007616x128xf32, #tpu.memory_space<hbm>>
    tpu.wait_indirect_dma semaphore(%arg9 : memref<!tpu.dma_semaphore, #tpu.memory_space<semaphore_mem>>) src(%dma_wait3A_27 : memref<1007616x128xf32, #tpu.memory_space<hbm>>) dst(%arg7 : memref<256x128xf32, #tpu.memory_space<vmem>>)
    %add3A_28 = arith.constant 256 : i32
    %add3A_29 = arith.addi %mul3A_2, %add3A_28 : i32
    "tpu.region"() ({
      %run_scoped3A = tpu.sem_alloc : memref<!tpu.dma_semaphore, #tpu.memory_space<semaphore_mem>>
      %dma_start3A_97 = arith.constant 0 : i32
      %dma_start3A_98 = tpu.memref_slice %arg4[%add3A_29, %dma_start3A_97] : memref<65536x128xf32, #tpu.memory_space<hbm>> -> memref<256x128xf32, #tpu.memory_space<hbm>>
      %dma_start3A_99 = arith.constant 0 : i32
      %dma_start3A_100 = tpu.memref_slice %arg4[%add3A_29, %dma_start3A_99] : memref<65536x128xf32, #tpu.memory_space<hbm>> -> memref<256x128xf32, #tpu.memory_space<hbm>>
      tpu.enqueue_dma source(%arg7 : memref<256x128xf32, #tpu.memory_space<vmem>>) target(%dma_start3A_100 : memref<256x128xf32, #tpu.memory_space<hbm>>) target_semaphore(%run_scoped3A : memref<!tpu.dma_semaphore, #tpu.memory_space<semaphore_mem>>)
      %dma_wait3A_101 = arith.constant 0 : i32
      %dma_wait3A_102 = tpu.memref_slice %arg4[%add3A_29, %dma_wait3A_101] : memref<65536x128xf32, #tpu.memory_space<hbm>> -> memref<256x128xf32, #tpu.memory_space<hbm>>
      %dma_wait3A_103 = arith.constant 0 : i32
      %dma_wait3A_104 = tpu.memref_slice %arg4[%add3A_29, %dma_wait3A_103] : memref<65536x128xf32, #tpu.memory_space<hbm>> -> memref<256x128xf32, #tpu.memory_space<hbm>>
      tpu.wait_dma2 semaphore(%run_scoped3A : memref<!tpu.dma_semaphore, #tpu.memory_space<semaphore_mem>>) src(%arg7 : memref<256x128xf32, #tpu.memory_space<vmem>>) dst(%dma_wait3A_104 : memref<256x128xf32, #tpu.memory_space<hbm>>)
      tpu.yield
    }) : () -> ()
    %dma_start3A_30 = arith.constant 768 : i32
    %dma_start3A_31 = tpu.memref_slice %arg5[%dma_start3A_30] : memref<2048xi32, #tpu.memory_space<vmem>> -> memref<256xi32, #tpu.memory_space<vmem>>
    %dma_start3A_32 = arith.constant 0 : i32
    %dma_start3A_33 = arith.constant 0 : i32
    %dma_start3A_34 = tpu.memref_slice %arg2[%dma_start3A_32, %dma_start3A_33] : memref<1007616x128xf32, #tpu.memory_space<hbm>> -> memref<1007616x128xf32, #tpu.memory_space<hbm>>
    tpu.enqueue_indirect_dma source(%dma_start3A_34 : memref<1007616x128xf32, #tpu.memory_space<hbm>>) target(%arg7 : memref<256x128xf32, #tpu.memory_space<vmem>>) offsets(%dma_start3A_31 : memref<256xi32, #tpu.memory_space<vmem>>) semaphore(%arg9 : memref<!tpu.dma_semaphore, #tpu.memory_space<semaphore_mem>>)
    %dma_wait3A_35 = arith.constant 512 : i32
    %dma_wait3A_36 = tpu.memref_slice %arg5[%dma_wait3A_35] : memref<2048xi32, #tpu.memory_space<vmem>> -> memref<256xi32, #tpu.memory_space<vmem>>
    %dma_wait3A_37 = arith.constant 0 : i32
    %dma_wait3A_38 = arith.constant 0 : i32
    %dma_wait3A_39 = tpu.memref_slice %arg2[%dma_wait3A_37, %dma_wait3A_38] : memref<1007616x128xf32, #tpu.memory_space<hbm>> -> memref<1007616x128xf32, #tpu.memory_space<hbm>>
    tpu.wait_indirect_dma semaphore(%arg8 : memref<!tpu.dma_semaphore, #tpu.memory_space<semaphore_mem>>) src(%dma_wait3A_39 : memref<1007616x128xf32, #tpu.memory_space<hbm>>) dst(%arg6 : memref<256x128xf32, #tpu.memory_space<vmem>>)
    %add3A_40 = arith.constant 512 : i32
    %add3A_41 = arith.addi %mul3A_2, %add3A_40 : i32
    "tpu.region"() ({
      %run_scoped3A = tpu.sem_alloc : memref<!tpu.dma_semaphore, #tpu.memory_space<semaphore_mem>>
      %dma_start3A_97 = arith.constant 0 : i32
      %dma_start3A_98 = tpu.memref_slice %arg4[%add3A_41, %dma_start3A_97] : memref<65536x128xf32, #tpu.memory_space<hbm>> -> memref<256x128xf32, #tpu.memory_space<hbm>>
      %dma_start3A_99 = arith.constant 0 : i32
      %dma_start3A_100 = tpu.memref_slice %arg4[%add3A_41, %dma_start3A_99] : memref<65536x128xf32, #tpu.memory_space<hbm>> -> memref<256x128xf32, #tpu.memory_space<hbm>>
      tpu.enqueue_dma source(%arg6 : memref<256x128xf32, #tpu.memory_space<vmem>>) target(%dma_start3A_100 : memref<256x128xf32, #tpu.memory_space<hbm>>) target_semaphore(%run_scoped3A : memref<!tpu.dma_semaphore, #tpu.memory_space<semaphore_mem>>)
      %dma_wait3A_101 = arith.constant 0 : i32
      %dma_wait3A_102 = tpu.memref_slice %arg4[%add3A_41, %dma_wait3A_101] : memref<65536x128xf32, #tpu.memory_space<hbm>> -> memref<256x128xf32, #tpu.memory_space<hbm>>
      %dma_wait3A_103 = arith.constant 0 : i32
      %dma_wait3A_104 = tpu.memref_slice %arg4[%add3A_41, %dma_wait3A_103] : memref<65536x128xf32, #tpu.memory_space<hbm>> -> memref<256x128xf32, #tpu.memory_space<hbm>>
      tpu.wait_dma2 semaphore(%run_scoped3A : memref<!tpu.dma_semaphore, #tpu.memory_space<semaphore_mem>>) src(%arg6 : memref<256x128xf32, #tpu.memory_space<vmem>>) dst(%dma_wait3A_104 : memref<256x128xf32, #tpu.memory_space<hbm>>)
      tpu.yield
    }) : () -> ()
    %dma_start3A_42 = arith.constant 1024 : i32
    %dma_start3A_43 = tpu.memref_slice %arg5[%dma_start3A_42] : memref<2048xi32, #tpu.memory_space<vmem>> -> memref<256xi32, #tpu.memory_space<vmem>>
    %dma_start3A_44 = arith.constant 0 : i32
    %dma_start3A_45 = arith.constant 0 : i32
    %dma_start3A_46 = tpu.memref_slice %arg2[%dma_start3A_44, %dma_start3A_45] : memref<1007616x128xf32, #tpu.memory_space<hbm>> -> memref<1007616x128xf32, #tpu.memory_space<hbm>>
    tpu.enqueue_indirect_dma source(%dma_start3A_46 : memref<1007616x128xf32, #tpu.memory_space<hbm>>) target(%arg6 : memref<256x128xf32, #tpu.memory_space<vmem>>) offsets(%dma_start3A_43 : memref<256xi32, #tpu.memory_space<vmem>>) semaphore(%arg8 : memref<!tpu.dma_semaphore, #tpu.memory_space<semaphore_mem>>)
    %dma_wait3A_47 = arith.constant 768 : i32
    %dma_wait3A_48 = tpu.memref_slice %arg5[%dma_wait3A_47] : memref<2048xi32, #tpu.memory_space<vmem>> -> memref<256xi32, #tpu.memory_space<vmem>>
    %dma_wait3A_49 = arith.constant 0 : i32
    %dma_wait3A_50 = arith.constant 0 : i32
    %dma_wait3A_51 = tpu.memref_slice %arg2[%dma_wait3A_49, %dma_wait3A_50] : memref<1007616x128xf32, #tpu.memory_space<hbm>> -> memref<1007616x128xf32, #tpu.memory_space<hbm>>
    tpu.wait_indirect_dma semaphore(%arg9 : memref<!tpu.dma_semaphore, #tpu.memory_space<semaphore_mem>>) src(%dma_wait3A_51 : memref<1007616x128xf32, #tpu.memory_space<hbm>>) dst(%arg7 : memref<256x128xf32, #tpu.memory_space<vmem>>)
    %add3A_52 = arith.constant 768 : i32
    %add3A_53 = arith.addi %mul3A_2, %add3A_52 : i32
    "tpu.region"() ({
      %run_scoped3A = tpu.sem_alloc : memref<!tpu.dma_semaphore, #tpu.memory_space<semaphore_mem>>
      %dma_start3A_97 = arith.constant 0 : i32
      %dma_start3A_98 = tpu.memref_slice %arg4[%add3A_53, %dma_start3A_97] : memref<65536x128xf32, #tpu.memory_space<hbm>> -> memref<256x128xf32, #tpu.memory_space<hbm>>
      %dma_start3A_99 = arith.constant 0 : i32
      %dma_start3A_100 = tpu.memref_slice %arg4[%add3A_53, %dma_start3A_99] : memref<65536x128xf32, #tpu.memory_space<hbm>> -> memref<256x128xf32, #tpu.memory_space<hbm>>
      tpu.enqueue_dma source(%arg7 : memref<256x128xf32, #tpu.memory_space<vmem>>) target(%dma_start3A_100 : memref<256x128xf32, #tpu.memory_space<hbm>>) target_semaphore(%run_scoped3A : memref<!tpu.dma_semaphore, #tpu.memory_space<semaphore_mem>>)
      %dma_wait3A_101 = arith.constant 0 : i32
      %dma_wait3A_102 = tpu.memref_slice %arg4[%add3A_53, %dma_wait3A_101] : memref<65536x128xf32, #tpu.memory_space<hbm>> -> memref<256x128xf32, #tpu.memory_space<hbm>>
      %dma_wait3A_103 = arith.constant 0 : i32
      %dma_wait3A_104 = tpu.memref_slice %arg4[%add3A_53, %dma_wait3A_103] : memref<65536x128xf32, #tpu.memory_space<hbm>> -> memref<256x128xf32, #tpu.memory_space<hbm>>
      tpu.wait_dma2 semaphore(%run_scoped3A : memref<!tpu.dma_semaphore, #tpu.memory_space<semaphore_mem>>) src(%arg7 : memref<256x128xf32, #tpu.memory_space<vmem>>) dst(%dma_wait3A_104 : memref<256x128xf32, #tpu.memory_space<hbm>>)
      tpu.yield
    }) : () -> ()
    %dma_start3A_54 = arith.constant 1280 : i32
    %dma_start3A_55 = tpu.memref_slice %arg5[%dma_start3A_54] : memref<2048xi32, #tpu.memory_space<vmem>> -> memref<256xi32, #tpu.memory_space<vmem>>
    %dma_start3A_56 = arith.constant 0 : i32
    %dma_start3A_57 = arith.constant 0 : i32
    %dma_start3A_58 = tpu.memref_slice %arg2[%dma_start3A_56, %dma_start3A_57] : memref<1007616x128xf32, #tpu.memory_space<hbm>> -> memref<1007616x128xf32, #tpu.memory_space<hbm>>
    tpu.enqueue_indirect_dma source(%dma_start3A_58 : memref<1007616x128xf32, #tpu.memory_space<hbm>>) target(%arg7 : memref<256x128xf32, #tpu.memory_space<vmem>>) offsets(%dma_start3A_55 : memref<256xi32, #tpu.memory_space<vmem>>) semaphore(%arg9 : memref<!tpu.dma_semaphore, #tpu.memory_space<semaphore_mem>>)
    %dma_wait3A_59 = arith.constant 1024 : i32
    %dma_wait3A_60 = tpu.memref_slice %arg5[%dma_wait3A_59] : memref<2048xi32, #tpu.memory_space<vmem>> -> memref<256xi32, #tpu.memory_space<vmem>>
    %dma_wait3A_61 = arith.constant 0 : i32
    %dma_wait3A_62 = arith.constant 0 : i32
    %dma_wait3A_63 = tpu.memref_slice %arg2[%dma_wait3A_61, %dma_wait3A_62] : memref<1007616x128xf32, #tpu.memory_space<hbm>> -> memref<1007616x128xf32, #tpu.memory_space<hbm>>
    tpu.wait_indirect_dma semaphore(%arg8 : memref<!tpu.dma_semaphore, #tpu.memory_space<semaphore_mem>>) src(%dma_wait3A_63 : memref<1007616x128xf32, #tpu.memory_space<hbm>>) dst(%arg6 : memref<256x128xf32, #tpu.memory_space<vmem>>)
    %add3A_64 = arith.constant 1024 : i32
    %add3A_65 = arith.addi %mul3A_2, %add3A_64 : i32
    "tpu.region"() ({
      %run_scoped3A = tpu.sem_alloc : memref<!tpu.dma_semaphore, #tpu.memory_space<semaphore_mem>>
      %dma_start3A_97 = arith.constant 0 : i32
      %dma_start3A_98 = tpu.memref_slice %arg4[%add3A_65, %dma_start3A_97] : memref<65536x128xf32, #tpu.memory_space<hbm>> -> memref<256x128xf32, #tpu.memory_space<hbm>>
      %dma_start3A_99 = arith.constant 0 : i32
      %dma_start3A_100 = tpu.memref_slice %arg4[%add3A_65, %dma_start3A_99] : memref<65536x128xf32, #tpu.memory_space<hbm>> -> memref<256x128xf32, #tpu.memory_space<hbm>>
      tpu.enqueue_dma source(%arg6 : memref<256x128xf32, #tpu.memory_space<vmem>>) target(%dma_start3A_100 : memref<256x128xf32, #tpu.memory_space<hbm>>) target_semaphore(%run_scoped3A : memref<!tpu.dma_semaphore, #tpu.memory_space<semaphore_mem>>)
      %dma_wait3A_101 = arith.constant 0 : i32
      %dma_wait3A_102 = tpu.memref_slice %arg4[%add3A_65, %dma_wait3A_101] : memref<65536x128xf32, #tpu.memory_space<hbm>> -> memref<256x128xf32, #tpu.memory_space<hbm>>
      %dma_wait3A_103 = arith.constant 0 : i32
      %dma_wait3A_104 = tpu.memref_slice %arg4[%add3A_65, %dma_wait3A_103] : memref<65536x128xf32, #tpu.memory_space<hbm>> -> memref<256x128xf32, #tpu.memory_space<hbm>>
      tpu.wait_dma2 semaphore(%run_scoped3A : memref<!tpu.dma_semaphore, #tpu.memory_space<semaphore_mem>>) src(%arg6 : memref<256x128xf32, #tpu.memory_space<vmem>>) dst(%dma_wait3A_104 : memref<256x128xf32, #tpu.memory_space<hbm>>)
      tpu.yield
    }) : () -> ()
    %dma_start3A_66 = arith.constant 1536 : i32
    %dma_start3A_67 = tpu.memref_slice %arg5[%dma_start3A_66] : memref<2048xi32, #tpu.memory_space<vmem>> -> memref<256xi32, #tpu.memory_space<vmem>>
    %dma_start3A_68 = arith.constant 0 : i32
    %dma_start3A_69 = arith.constant 0 : i32
    %dma_start3A_70 = tpu.memref_slice %arg2[%dma_start3A_68, %dma_start3A_69] : memref<1007616x128xf32, #tpu.memory_space<hbm>> -> memref<1007616x128xf32, #tpu.memory_space<hbm>>
    tpu.enqueue_indirect_dma source(%dma_start3A_70 : memref<1007616x128xf32, #tpu.memory_space<hbm>>) target(%arg6 : memref<256x128xf32, #tpu.memory_space<vmem>>) offsets(%dma_start3A_67 : memref<256xi32, #tpu.memory_space<vmem>>) semaphore(%arg8 : memref<!tpu.dma_semaphore, #tpu.memory_space<semaphore_mem>>)
    %dma_wait3A_71 = arith.constant 1280 : i32
    %dma_wait3A_72 = tpu.memref_slice %arg5[%dma_wait3A_71] : memref<2048xi32, #tpu.memory_space<vmem>> -> memref<256xi32, #tpu.memory_space<vmem>>
    %dma_wait3A_73 = arith.constant 0 : i32
    %dma_wait3A_74 = arith.constant 0 : i32
    %dma_wait3A_75 = tpu.memref_slice %arg2[%dma_wait3A_73, %dma_wait3A_74] : memref<1007616x128xf32, #tpu.memory_space<hbm>> -> memref<1007616x128xf32, #tpu.memory_space<hbm>>
    tpu.wait_indirect_dma semaphore(%arg9 : memref<!tpu.dma_semaphore, #tpu.memory_space<semaphore_mem>>) src(%dma_wait3A_75 : memref<1007616x128xf32, #tpu.memory_space<hbm>>) dst(%arg7 : memref<256x128xf32, #tpu.memory_space<vmem>>)
    %add3A_76 = arith.constant 1280 : i32
    %add3A_77 = arith.addi %mul3A_2, %add3A_76 : i32
    "tpu.region"() ({
      %run_scoped3A = tpu.sem_alloc : memref<!tpu.dma_semaphore, #tpu.memory_space<semaphore_mem>>
      %dma_start3A_97 = arith.constant 0 : i32
      %dma_start3A_98 = tpu.memref_slice %arg4[%add3A_77, %dma_start3A_97] : memref<65536x128xf32, #tpu.memory_space<hbm>> -> memref<256x128xf32, #tpu.memory_space<hbm>>
      %dma_start3A_99 = arith.constant 0 : i32
      %dma_start3A_100 = tpu.memref_slice %arg4[%add3A_77, %dma_start3A_99] : memref<65536x128xf32, #tpu.memory_space<hbm>> -> memref<256x128xf32, #tpu.memory_space<hbm>>
      tpu.enqueue_dma source(%arg7 : memref<256x128xf32, #tpu.memory_space<vmem>>) target(%dma_start3A_100 : memref<256x128xf32, #tpu.memory_space<hbm>>) target_semaphore(%run_scoped3A : memref<!tpu.dma_semaphore, #tpu.memory_space<semaphore_mem>>)
      %dma_wait3A_101 = arith.constant 0 : i32
      %dma_wait3A_102 = tpu.memref_slice %arg4[%add3A_77, %dma_wait3A_101] : memref<65536x128xf32, #tpu.memory_space<hbm>> -> memref<256x128xf32, #tpu.memory_space<hbm>>
      %dma_wait3A_103 = arith.constant 0 : i32
      %dma_wait3A_104 = tpu.memref_slice %arg4[%add3A_77, %dma_wait3A_103] : memref<65536x128xf32, #tpu.memory_space<hbm>> -> memref<256x128xf32, #tpu.memory_space<hbm>>
      tpu.wait_dma2 semaphore(%run_scoped3A : memref<!tpu.dma_semaphore, #tpu.memory_space<semaphore_mem>>) src(%arg7 : memref<256x128xf32, #tpu.memory_space<vmem>>) dst(%dma_wait3A_104 : memref<256x128xf32, #tpu.memory_space<hbm>>)
      tpu.yield
    }) : () -> ()
    %dma_start3A_78 = arith.constant 1792 : i32
    %dma_start3A_79 = tpu.memref_slice %arg5[%dma_start3A_78] : memref<2048xi32, #tpu.memory_space<vmem>> -> memref<256xi32, #tpu.memory_space<vmem>>
    %dma_start3A_80 = arith.constant 0 : i32
    %dma_start3A_81 = arith.constant 0 : i32
    %dma_start3A_82 = tpu.memref_slice %arg2[%dma_start3A_80, %dma_start3A_81] : memref<1007616x128xf32, #tpu.memory_space<hbm>> -> memref<1007616x128xf32, #tpu.memory_space<hbm>>
    tpu.enqueue_indirect_dma source(%dma_start3A_82 : memref<1007616x128xf32, #tpu.memory_space<hbm>>) target(%arg7 : memref<256x128xf32, #tpu.memory_space<vmem>>) offsets(%dma_start3A_79 : memref<256xi32, #tpu.memory_space<vmem>>) semaphore(%arg9 : memref<!tpu.dma_semaphore, #tpu.memory_space<semaphore_mem>>)
    %dma_wait3A_83 = arith.constant 1536 : i32
    %dma_wait3A_84 = tpu.memref_slice %arg5[%dma_wait3A_83] : memref<2048xi32, #tpu.memory_space<vmem>> -> memref<256xi32, #tpu.memory_space<vmem>>
    %dma_wait3A_85 = arith.constant 0 : i32
    %dma_wait3A_86 = arith.constant 0 : i32
    %dma_wait3A_87 = tpu.memref_slice %arg2[%dma_wait3A_85, %dma_wait3A_86] : memref<1007616x128xf32, #tpu.memory_space<hbm>> -> memref<1007616x128xf32, #tpu.memory_space<hbm>>
    tpu.wait_indirect_dma semaphore(%arg8 : memref<!tpu.dma_semaphore, #tpu.memory_space<semaphore_mem>>) src(%dma_wait3A_87 : memref<1007616x128xf32, #tpu.memory_space<hbm>>) dst(%arg6 : memref<256x128xf32, #tpu.memory_space<vmem>>)
    %add3A_88 = arith.constant 1536 : i32
    %add3A_89 = arith.addi %mul3A_2, %add3A_88 : i32
    "tpu.region"() ({
      %run_scoped3A = tpu.sem_alloc : memref<!tpu.dma_semaphore, #tpu.memory_space<semaphore_mem>>
      %dma_start3A_97 = arith.constant 0 : i32
      %dma_start3A_98 = tpu.memref_slice %arg4[%add3A_89, %dma_start3A_97] : memref<65536x128xf32, #tpu.memory_space<hbm>> -> memref<256x128xf32, #tpu.memory_space<hbm>>
      %dma_start3A_99 = arith.constant 0 : i32
      %dma_start3A_100 = tpu.memref_slice %arg4[%add3A_89, %dma_start3A_99] : memref<65536x128xf32, #tpu.memory_space<hbm>> -> memref<256x128xf32, #tpu.memory_space<hbm>>
      tpu.enqueue_dma source(%arg6 : memref<256x128xf32, #tpu.memory_space<vmem>>) target(%dma_start3A_100 : memref<256x128xf32, #tpu.memory_space<hbm>>) target_semaphore(%run_scoped3A : memref<!tpu.dma_semaphore, #tpu.memory_space<semaphore_mem>>)
      %dma_wait3A_101 = arith.constant 0 : i32
      %dma_wait3A_102 = tpu.memref_slice %arg4[%add3A_89, %dma_wait3A_101] : memref<65536x128xf32, #tpu.memory_space<hbm>> -> memref<256x128xf32, #tpu.memory_space<hbm>>
      %dma_wait3A_103 = arith.constant 0 : i32
      %dma_wait3A_104 = tpu.memref_slice %arg4[%add3A_89, %dma_wait3A_103] : memref<65536x128xf32, #tpu.memory_space<hbm>> -> memref<256x128xf32, #tpu.memory_space<hbm>>
      tpu.wait_dma2 semaphore(%run_scoped3A : memref<!tpu.dma_semaphore, #tpu.memory_space<semaphore_mem>>) src(%arg6 : memref<256x128xf32, #tpu.memory_space<vmem>>) dst(%dma_wait3A_104 : memref<256x128xf32, #tpu.memory_space<hbm>>)
      tpu.yield
    }) : () -> ()
    %dma_wait3A_90 = arith.constant 1792 : i32
    %dma_wait3A_91 = tpu.memref_slice %arg5[%dma_wait3A_90] : memref<2048xi32, #tpu.memory_space<vmem>> -> memref<256xi32, #tpu.memory_space<vmem>>
    %dma_wait3A_92 = arith.constant 0 : i32
    %dma_wait3A_93 = arith.constant 0 : i32
    %dma_wait3A_94 = tpu.memref_slice %arg2[%dma_wait3A_92, %dma_wait3A_93] : memref<1007616x128xf32, #tpu.memory_space<hbm>> -> memref<1007616x128xf32, #tpu.memory_space<hbm>>
    tpu.wait_indirect_dma semaphore(%arg9 : memref<!tpu.dma_semaphore, #tpu.memory_space<semaphore_mem>>) src(%dma_wait3A_94 : memref<1007616x128xf32, #tpu.memory_space<hbm>>) dst(%arg7 : memref<256x128xf32, #tpu.memory_space<vmem>>)
    %add3A_95 = arith.constant 1792 : i32
    %add3A_96 = arith.addi %mul3A_2, %add3A_95 : i32
    "tpu.region"() ({
      %run_scoped3A = tpu.sem_alloc : memref<!tpu.dma_semaphore, #tpu.memory_space<semaphore_mem>>
      %dma_start3A_97 = arith.constant 0 : i32
      %dma_start3A_98 = tpu.memref_slice %arg4[%add3A_96, %dma_start3A_97] : memref<65536x128xf32, #tpu.memory_space<hbm>> -> memref<256x128xf32, #tpu.memory_space<hbm>>
      %dma_start3A_99 = arith.constant 0 : i32
      %dma_start3A_100 = tpu.memref_slice %arg4[%add3A_96, %dma_start3A_99] : memref<65536x128xf32, #tpu.memory_space<hbm>> -> memref<256x128xf32, #tpu.memory_space<hbm>>
      tpu.enqueue_dma source(%arg7 : memref<256x128xf32, #tpu.memory_space<vmem>>) target(%dma_start3A_100 : memref<256x128xf32, #tpu.memory_space<hbm>>) target_semaphore(%run_scoped3A : memref<!tpu.dma_semaphore, #tpu.memory_space<semaphore_mem>>)
      %dma_wait3A_101 = arith.constant 0 : i32
      %dma_wait3A_102 = tpu.memref_slice %arg4[%add3A_96, %dma_wait3A_101] : memref<65536x128xf32, #tpu.memory_space<hbm>> -> memref<256x128xf32, #tpu.memory_space<hbm>>
      %dma_wait3A_103 = arith.constant 0 : i32
      %dma_wait3A_104 = tpu.memref_slice %arg4[%add3A_96, %dma_wait3A_103] : memref<65536x128xf32, #tpu.memory_space<hbm>> -> memref<256x128xf32, #tpu.memory_space<hbm>>
      tpu.wait_dma2 semaphore(%run_scoped3A : memref<!tpu.dma_semaphore, #tpu.memory_space<semaphore_mem>>) src(%arg7 : memref<256x128xf32, #tpu.memory_space<vmem>>) dst(%dma_wait3A_104 : memref<256x128xf32, #tpu.memory_space<hbm>>)
      tpu.yield
    }) : () -> ()
    return
  }
}

module attributes {stable_mosaic.version = 14 : i64} {
  func.func @_tr_body(%arg0: i32, %arg1: memref<64x8192xf32, #tpu.memory_space<vmem>>, %arg2: memref<8192x128xf32, #tpu.memory_space<vmem>>) attributes {dimension_semantics = [#tpu.dimension_semantics<arbitrary>], iteration_bounds = array<i64: 123>, scalar_prefetch = 0 : i64, scratch_operands = 0 : i64, tpu.core_type = #tpu.core_type<tc>, window_params = [{transform_indices = @transform_0, window_bounds = array<i64: 64, 8192>}, {transform_indices = @transform_1, window_bounds = array<i64: 8192, 128>}]} {
    %get3A = arith.constant 0 : index
    %get3A_0 = arith.constant 0 : index
    %get3A_1 = vector.load %arg1[%get3A, %get3A_0] : memref<64x8192xf32, #tpu.memory_space<vmem>>, vector<64x8192xf32>
    %transpose3A = tpu.transpose %get3A_1, [1, 0] : vector<64x8192xf32> -> vector<8192x64xf32>
    %swap3A = arith.constant 0 : index
    %swap3A_2 = arith.constant 0 : index
    %swap3A_3 = vector.load %arg2[%swap3A, %swap3A_2] : memref<8192x128xf32, #tpu.memory_space<vmem>>, vector<8192x64xf32>
    tpu.vector_store %arg2[%swap3A, %swap3A_2], %transpose3A {strides = array<i32>} : memref<8192x128xf32, #tpu.memory_space<vmem>>, vector<8192x64xf32>,
    return
  }
  func.func @transform_0(%arg0: i32) -> (i32, i32) {
    %c0_i32 = arith.constant 0 : i32
    %c0_i32_0 = arith.constant 0 : i32
    return %c0_i32, %arg0 : i32, i32
  }
  func.func @transform_1(%arg0: i32) -> (i32, i32) {
    %c0_i32 = arith.constant 0 : i32
    %c0_i32_0 = arith.constant 0 : i32
    return %arg0, %c0_i32 : i32, i32
  }
}

module attributes {stable_mosaic.version = 14 : i64} {
  func.func @_loss_body(%arg0: i32, %arg1: memref<2048x128xf32, #tpu.memory_space<vmem>>, %arg2: memref<2048x128xf32, #tpu.memory_space<vmem>>, %arg3: memref<2048x128xf32, #tpu.memory_space<vmem>>, %arg4: memref<2048x128xf32, #tpu.memory_space<vmem>>, %arg5: memref<2048x1xf32, #tpu.memory_space<vmem>>, %arg6: memref<1x1xf32, #tpu.memory_space<smem>>) attributes {dimension_semantics = [#tpu.dimension_semantics<arbitrary>], iteration_bounds = array<i64: 8>, scalar_prefetch = 0 : i64, scratch_operands = 0 : i64, tpu.core_type = #tpu.core_type<tc>, window_params = [{transform_indices = @transform_0, window_bounds = array<i64: 2048, 128>}, {transform_indices = @transform_1, window_bounds = array<i64: 2048, 128>}, {transform_indices = @transform_2, window_bounds = array<i64: 2048, 128>}, {transform_indices = @transform_3, window_bounds = array<i64: 2048, 128>}, {transform_indices = @transform_4, window_bounds = array<i64: 2048, 1>}, {transform_indices = @transform_5, window_bounds = array<i64: 1, 1>}]} {
    %get3A = arith.constant 0 : index
    %get3A_0 = arith.constant 0 : index
    %get3A_1 = vector.load %arg1[%get3A, %get3A_0] : memref<2048x128xf32, #tpu.memory_space<vmem>>, vector<2048x64xf32>
    %get3A_2 = arith.constant 0 : index
    %get3A_3 = arith.constant 0 : index
    %get3A_4 = vector.load %arg2[%get3A_2, %get3A_3] : memref<2048x128xf32, #tpu.memory_space<vmem>>, vector<2048x64xf32>
    %get3A_5 = arith.constant 0 : index
    %get3A_6 = arith.constant 0 : index
    %get3A_7 = vector.load %arg3[%get3A_5, %get3A_6] : memref<2048x128xf32, #tpu.memory_space<vmem>>, vector<2048x64xf32>
    %get3A_8 = arith.constant 0 : index
    %get3A_9 = arith.constant 0 : index
    %get3A_10 = vector.load %arg4[%get3A_8, %get3A_9] : memref<2048x128xf32, #tpu.memory_space<vmem>>, vector<2048x64xf32>
    %add3A = arith.addf %get3A_7, %get3A_10 : vector<2048x64xf32>
    %sub3A = arith.subf %get3A_1, %add3A : vector<2048x64xf32>
    %abs3A = math.absf %sub3A : vector<2048x64xf32>
    %reduce_sum3A = arith.constant dense<0.000000e+00> : vector<2048xf32>
    %reduce_sum3A_11 = vector.multi_reduction <add>, %abs3A, %reduce_sum3A [1] : vector<2048x64xf32> to vector<2048xf32>
    %sub3A_12 = arith.subf %get3A_4, %add3A : vector<2048x64xf32>
    %abs3A_13 = math.absf %sub3A_12 : vector<2048x64xf32>
    %reduce_sum3A_14 = arith.constant dense<0.000000e+00> : vector<2048xf32>
    %reduce_sum3A_15 = vector.multi_reduction <add>, %abs3A_13, %reduce_sum3A_14 [1] : vector<2048x64xf32> to vector<2048xf32>
    %get3A_16 = arith.constant 0 : index
    %get3A_17 = arith.constant 0 : index
    %get3A_18 = vector.load %arg5[%get3A_16, %get3A_17] : memref<2048x1xf32, #tpu.memory_space<vmem>>, vector<2048x1xf32>
    %squeeze3A = vector.shape_cast %get3A_18 : vector<2048x1xf32> to vector<2048xf32>
    %mul3A = arith.mulf %squeeze3A, %reduce_sum3A_11 : vector<2048xf32>
    %add3A_19 = arith.constant 1.000000e+00 : f32
    %add3A_20 = vector.broadcast %add3A_19 : f32 to vector<2048xf32>
    %add3A_21 = arith.addf %add3A_20, %mul3A : vector<2048xf32>
    %sub3A_22 = arith.subf %add3A_21, %reduce_sum3A_15 : vector<2048xf32>
    %max3A = arith.constant 0.000000e+00 : f32
    %max3A_23 = vector.broadcast %max3A : f32 to vector<2048xf32>
    %max3A_24 = arith.maximumf %sub3A_22, %max3A_23 : vector<2048xf32>
    %reduce_sum3A_25 = vector.shape_cast %max3A_24 : vector<2048xf32> to vector<1x2048xf32>
    %reduce_sum3A_26 = arith.constant dense<0.000000e+00> : vector<1xf32>
    %reduce_sum3A_27 = vector.multi_reduction <add>, %reduce_sum3A_25, %reduce_sum3A_26 [1] : vector<1x2048xf32> to vector<1xf32>
    %reduce_sum3A_28 = vector.shape_cast %reduce_sum3A_27 : vector<1xf32> to vector<1x1xf32>
    %reduce_sum3A_29 = vector.extract %reduce_sum3A_28[0, 0] : f32 from vector<1x1xf32>
    %eq3A = arith.constant 0 : i32
    %eq3A_30 = arith.cmpi eq, %arg0, %eq3A : i32
    %convert_element_type3A = arith.extui %eq3A_30 : i1 to i32
    %cond3A = arith.constant 0 : i32
    %cond3A_31 = arith.cmpi ne, %convert_element_type3A, %cond3A : i32
    scf.if %cond3A_31 {
      %swap3A_38 = arith.constant 0.000000e+00 : f32
      %swap3A_39 = arith.constant 0 : index
      %swap3A_40 = arith.constant 0 : index
      %swap3A_41 = memref.load %arg6[%swap3A_39, %swap3A_40] : memref<1x1xf32, #tpu.memory_space<smem>>
      memref.store %swap3A_38, %arg6[%swap3A_39, %swap3A_40] : memref<1x1xf32, #tpu.memory_space<smem>>
    } else {
    }
    %get3A_32 = arith.constant 0 : index
    %get3A_33 = arith.constant 0 : index
    %get3A_34 = memref.load %arg6[%get3A_32, %get3A_33] : memref<1x1xf32, #tpu.memory_space<smem>>
    %add3A_35 = arith.addf %get3A_34, %reduce_sum3A_29 : f32
    %swap3A = arith.constant 0 : index
    %swap3A_36 = arith.constant 0 : index
    %swap3A_37 = memref.load %arg6[%swap3A, %swap3A_36] : memref<1x1xf32, #tpu.memory_space<smem>>
    memref.store %add3A_35, %arg6[%swap3A, %swap3A_36] : memref<1x1xf32, #tpu.memory_space<smem>>
    return
  }
  func.func @transform_0(%arg0: i32) -> (i32, i32) {
    %c0_i32 = arith.constant 0 : i32
    %c0_i32_0 = arith.constant 0 : i32
    return %arg0, %c0_i32 : i32, i32
  }
  func.func @transform_1(%arg0: i32) -> (i32, i32) {
    %add3A = arith.constant 8 : i32
    %add3A_0 = arith.addi %arg0, %add3A : i32
    %c0_i32 = arith.constant 0 : i32
    %c0_i32_1 = arith.constant 0 : i32
    return %add3A_0, %c0_i32 : i32, i32
  }
  func.func @transform_2(%arg0: i32) -> (i32, i32) {
    %add3A = arith.constant 16 : i32
    %add3A_0 = arith.addi %arg0, %add3A : i32
    %c0_i32 = arith.constant 0 : i32
    %c0_i32_1 = arith.constant 0 : i32
    return %add3A_0, %c0_i32 : i32, i32
  }
  func.func @transform_3(%arg0: i32) -> (i32, i32) {
    %add3A = arith.constant 24 : i32
    %add3A_0 = arith.addi %arg0, %add3A : i32
    %c0_i32 = arith.constant 0 : i32
    %c0_i32_1 = arith.constant 0 : i32
    return %add3A_0, %c0_i32 : i32, i32
  }
  func.func @transform_4(%arg0: i32) -> (i32, i32) {
    %c0_i32 = arith.constant 0 : i32
    %c0_i32_0 = arith.constant 0 : i32
    return %arg0, %c0_i32 : i32, i32
  }
  func.func @transform_5(%arg0: i32) -> (i32, i32) {
    %c0_i32 = arith.constant 0 : i32
    %c0_i32_0 = arith.constant 0 : i32
    %c0_i32_1 = arith.constant 0 : i32
    return %c0_i32, %c0_i32_0 : i32, i32
  }
}

</mosaic_0001>

<sc_bundles>
// kernel: kernel.5.cloned.1.call-start
scs
__scs_entry_jumppad:
0x0: {  	(pc) =	sbr.rel $0x88, $3  }
0x1: {  	(tag) =	ssettag $0x0;
	lr =	simm.s32 $0x1  }
0x2: {  	[smem:$0x3F9C] =	sst lr;
	_ =	strace $0xD0000000  }
0x3: {  	_ = 	snop  }
0x4: {  	_ = 	snop  }
0x5: {  	_ = 	snop  }
0x6: {  	_ = 	snop  }
0x7: {  	_ = 	snop  }
__scs_overlays_trampoline_lowered:
0x8: {  	[smem:$0x3FAB] =	sst s0  }
0x9: {  	[smem:$0x3FAC] =	sst s1  }
0xa: {  	[smem:$0x3FAD] =	sst s2  }
0xb: {  	[smem:$0x3FAE] =	sst s3  }
0xc: {  	[smem:$0x3FAF] =	sst s4  }
0xd: {  	[smem:$0x3FB0] =	sst s5  }
0xe: {  	[smem:$0x3FB1] =	sst s6  }
0xf: {  	[smem:$0x3FB2] =	sst s7  }
0x10: {  	[smem:$0x3FB3] =	sst s8  }
0x11: {  	[smem:$0x3FB4] =	sst s9;
	s0 =	simm.s32 @!p0 $0x0  }
0x12: {  	s1 =	sld [smem:$0x3F9A];
	s0 =	simm.s32 @p0 $0x1  }
0x13: {  	[smem:$0x3FB5] =	sst s0;
	s0 =	simm.s32 @!p1 $0x0  }
0x14: {  	s2 =	sld [smem:$0x3F99];
	s0 =	simm.s32 @p1 $0x1  }
0x15: {  	[smem:$0x3FB6] =	sst s0;
	s0 =	simm.s32 @!p2 $0x0  }
0x16: {  	s3 =	sld [smem:$0x3FDB];
	s0 =	simm.s32 @p2 $0x1  }
0x17: {  	s4 =	simm.s32 $0x1BF5;
	[smem:$0x3FB8] =	sst s0  }
0x18: {  	s0 =	sld [smem:$0x3F9B];
	_ =	swait.ge [sflag:s4], $0x0  }
0x19: {  	s7 =	sld [smem:$0x3F9C]  }
0x1a: {  	s8 =	sadd.s32 $0xFFFFE003, lr  }
0x1b: {  	s9 =	sadd.s32 $0xFFFFFEF7, lr;
	s5 =	simm.s32 $0xFFFFFFFF;
	p2 =	slt.u32 s8, $0xFFFFF086  }
0x1c: {  	p1 =	slt.u32 s9, $0xF7A;
	s5 =	simm.s32 @!p2 $0x0  }
0x1d: {  	s5 =	simm.s32 @p1 $0x1;
	p0 =	seq.s32 s7, s2  }
0x1e: {  	s7 =	smul.u32 @!p0 $0xF7A, s2;
	p2 =	seq.s32 @!p0 s5, $0x0  }
0x1f: {  	s9 =	smul.u32 $0xF7A, s1;
	s8 =	simm.s32 @!p0 $0x1BF5;
	p2 =	por !p2, p0  }
0x20: {  	[sflag:s8] =	ssyncset.s32 @!p0 $0xFFFFF086;
	s6 =	sadd.s32 @!p0 s3, s7;
	s7 =	simm.s32 @!p0 $0x108  }
0x21: {  	s3 =	sadd.s32 s3, s9;
	s6 =	sadd.s32 @!p0 $0x88, s6;
	s7 =	simm.s32 @p2 $0x1082  }
0x22: {  	[simem:s7], [sflag:s8] =	dma.local @!p0 [hbm:s6], $0xF7A  }
0x23: {  	s9 =	sor.u32 $0xD0000000, s2;
	s6 =	simm.s32 $0x108;
	_ =	swait.ge @!p0 [sflag:s8], $0x0  }
0x24: {  	s3 =	sadd.s32 $0x88, s3;
	s6 =	simm.s32 @!p1 $0x1082;
	[sflag:s4] =	ssyncset.s32 $0xFFFFF086  }
0x25: {  	[simem:s6], [sflag:s4] =	dma.local [hbm:s3], $0xF7A  }
0x26: {  	[smem:$0x3F9C] =	sst s1;
	(tag) =	ssettag s2;
	_ =	strace s9  }
0x27: {  	s1 =	sld [smem:$0x3FAC]  }
0x28: {  	s2 =	sld [smem:$0x3FAD]  }
0x29: {  	s4 =	sld [smem:$0x3FAF]  }
0x2a: {  	p0 =	seq.s32 s5, $0x0;
	s5 =	sld [smem:$0x3FB0]  }
0x2b: {  	s6 =	sld [smem:$0x3FB1]  }
0x2c: {  	s7 =	sld [smem:$0x3FB2]  }
0x2d: {  	s3 =	simm.s32 $0x108;
	s8 =	sld [smem:$0x3FB3]  }
0x2e: {  	s3 =	simm.s32 @!p0 $0x1082;
	s9 =	sld [smem:$0x3FB4]  }
0x2f: {  	lr =	sadd.s32 s0, s3;
	s0 =	sld [smem:$0x3FAB]  }
0x30: {  	s3 =	sld [smem:$0x3FAE]  }
0x31: {  	[smem:$0x3FB7] =	sst s10  }
0x32: {  	s10 =	sld [smem:$0x3FB5];
	_ =	sdelay $0x3  }
0x33: {  	p0 =	seq.s32 s10, $0x1;
	s10 =	sld [smem:$0x3FB7];
	_ =	sdelay $0x3  }
0x34: {  	[smem:$0x3FB7] =	sst s10  }
0x35: {  	s10 =	sld [smem:$0x3FB6];
	_ =	sdelay $0x3  }
0x36: {  	p1 =	seq.s32 s10, $0x1;
	s10 =	sld [smem:$0x3FB7];
	_ =	sdelay $0x3  }
0x37: {  	[smem:$0x3FB7] =	sst s10  }
0x38: {  	s10 =	sld [smem:$0x3FB8]  }
0x39: {  	_ = 	snop;
	(pc) =	sbr.ind lr, $3  }
0x3a: {  	_ = 	snop  }
0x3b: {  	_ = 	snop  }
0x3c: {  	p2 =	seq.s32 s10, $0x1;
	s10 =	sld [smem:$0x3FB7]  }
0x3d: {  	_ =	shalt  }
0x3e: {  	_ =	shalt  }
0x3f: {  	_ =	shalt  }
0x40: {  	_ =	shalt  }
0x41: {  	_ =	shalt  }
0x42: {  	_ =	shalt  }
0x43: {  	_ =	shalt  }
0x44: {  	_ =	shalt  }
0x45: {  	_ =	shalt  }
0x46: {  	_ =	shalt  }
0x47: {  	_ =	shalt  }
0x48: {  	_ =	shalt  }
0x49: {  	_ =	shalt  }
0x4a: {  	_ =	shalt  }
0x4b: {  	_ =	shalt  }
0x4c: {  	_ =	shalt  }
0x4d: {  	_ =	shalt  }
0x4e: {  	_ =	shalt  }
0x4f: {  	_ =	shalt  }
0x50: {  	_ =	shalt  }
0x51: {  	_ =	shalt  }
0x52: {  	_ =	shalt  }
0x53: {  	_ =	shalt  }
0x54: {  	_ =	shalt  }
0x55: {  	_ =	shalt  }
0x56: {  	_ =	shalt  }
0x57: {  	_ =	shalt  }
0x58: {  	_ =	shalt  }
0x59: {  	_ =	shalt  }
0x5a: {  	_ =	shalt  }
0x5b: {  	_ =	shalt  }
0x5c: {  	_ =	shalt  }
0x5d: {  	_ =	shalt  }
0x5e: {  	_ =	shalt  }
0x5f: {  	_ =	shalt  }
0x60: {  	_ =	shalt  }
0x61: {  	_ =	shalt  }
0x62: {  	_ =	shalt  }
0x63: {  	_ =	shalt  }
0x64: {  	_ =	shalt  }
0x65: {  	_ =	shalt  }
0x66: {  	_ =	shalt  }
0x67: {  	_ =	shalt  }
0x68: {  	_ =	shalt  }
0x69: {  	_ =	shalt  }
0x6a: {  	_ =	shalt  }
0x6b: {  	_ =	shalt  }
0x6c: {  	_ =	shalt  }
0x6d: {  	_ =	shalt  }
0x6e: {  	_ =	shalt  }
0x6f: {  	_ =	shalt  }
0x70: {  	_ =	shalt  }
0x71: {  	_ =	shalt  }
0x72: {  	_ =	shalt  }
0x73: {  	_ =	shalt  }
0x74: {  	_ =	shalt  }
0x75: {  	_ =	shalt  }
0x76: {  	_ =	shalt  }
0x77: {  	_ =	shalt  }
0x78: {  	_ =	shalt  }
0x79: {  	_ =	shalt  }
0x7a: {  	_ =	shalt  }
0x7b: {  	_ =	shalt  }
0x7c: {  	_ =	shalt  }
0x7d: {  	_ =	shalt  }
0x7e: {  	_ =	shalt  }
0x7f: {  	_ =	shalt  }
0x80: {  	_ =	shalt  }
0x81: {  	_ =	shalt  }
0x82: {  	_ =	shalt  }
0x83: {  	_ =	shalt  }
0x84: {  	_ =	shalt  }
0x85: {  	_ =	shalt  }
0x86: {  	_ =	shalt  }
0x87: {  	_ =	shalt  }
.Lfunc_end0:
.L_simem_size_0:
called_computation_lowered:
.L_overlay_start_0:
0x88: {  	s2 =	sld [smem:$0x3FD9]  }
0x89: {  	s3 =	sld [smem:$0x3FFE];
	_ =	sdelay $0x1  }
0x8a: {  	s1 =	srdreg.scid  }
0x8b: {  	s0 =	sand.u32 $0x1, s1  }
0x8c: {  	s16 =	sshll.u32 s0, $0xA;
	s2 =	sadd.s32 s3, s2  }
0x8d: {  	s2 =	sadd.s32 s2, s16  }
0x8e: {  	[smem:$0x3FC3] =	sst s2  }
0x8f: {  	_ = 	snop  }
0x90: {  	(tm) =	ssettm $0x1  }
0x91: {  	s17 =	sld [smem:$0x3FFB];
	_ =	sdelay $0x3  }
0x92: {  	_ =	strace s17  }
0x93: {  	s2 =	sld [smem:$0x3FFC];
	_ =	sdelay $0x3  }
0x94: {  	_ =	strace s2  }
0x95: {  	s2 =	sld [smem:$0x3FFD];
	_ =	sdelay $0x3  }
0x96: {  	_ =	strace s2  }
0x97: {  	_ =	strace $0x8FFFFFFF  }
0x98: {  	s18 =	sld [smem:$0x3FDB];
	_ =	sdelay $0x1  }
0x99: {  	s19 =	simm.s32 $_scs_section_size  }
0x9a: {  	s4 =	simm.s32 $_size__tile_overlayer_lowered;
	s5 =	simm.s32 $_tile_overlayer_lowered  }
0x9b: {  	s22 =	simm.s32 $0x1BFF;
	s21 =	sshll.u32 s5, $0x1;
	s2 =	sadd.s32 s19, s18  }
0x9c: {  	s6 =	simm.s32 $0x0;
	s20 =	sshll.u32 s4, $0x1;
	s4 =	sadd.s32 s21, s2  }
0x9d: {  	[timem:s6], [sflag:s22] =	dma.local [hbm:s4], s20  }
0x9e: {  	_ =	swait.ge [sflag:s22], s20  }
0x9f: {  	s3 =	ssub.s32 $0x0, s20;
	[sflag:s22] =	ssyncset.done $0x0  }
0xa0: {  	[sflag:s22] =	ssyncadd.s32 s3;
	_ =	sdelay $0x1  }
0xa1: {  	s23 =	simm.s32 $0x1B8B  }
0xa2: {  	_ =	swait.ge [sflag:s23], $0x1  }
0xa3: {  	[sflag:s23] =	ssyncset.done $0x0  }
0xa4: {  	s25 =	simm.s32 $0x1B8E;
	s24 =	sld [smem:$0x3FFE];
	[sflag:s23] =	ssyncadd.s32 $0xFFFFFFFF  }
0xa5: {  	s26 =	simm.s32 $execute0_lowered;
	[smem:$0x3FD2] =	sst s25  }
0xa6: {  	s4 =	sshll.u32 s26, $0x1;
	_ =	strace $0x80000046;
	[dreg:$0x1] =	wrdreg $0xFFFFFFFF  }
0xa7: {  	s28 =	simm.s32 $_size_execute0_lowered;
	s2 =	sadd.s32 s2, s4;
	[dreg:$0x0] =	wrdreg $0x0  }
0xa8: {  	s4 =	sshll.u32 s28, $0x1;
	[dreg:$0x2] =	wrdreg s2  }
0xa9: {  	[dreg:$0x3] =	wrdreg s4  }
0xaa: {  	[dreg:$0x4] =	wrdreg $0xC0  }
0xab: {  	_ =	task [dreg:s6], $0x5FFFF  }
0xac: {  	[dreg:$0x1] =	wrdreg $0xFFFFFFFF  }
0xad: {  	[dreg:$0x0] =	wrdreg $0x60  }
0xae: {  	[dreg:$0x2] =	wrdreg s24  }
0xaf: {  	[dreg:$0x3] =	wrdreg $0x9  }
0xb0: {  	_ =	task.clear_ibuf [dreg:s6], $0x4FFFF;
	_ =	strace $0x90000046  }
0xb1: {  	s29 =	simm.s32 $0x9;
	_ =	strace $0x80000048  }
0xb2: {  	_ =	swait.ge [sflag:s29], $0x1  }
0xb3: {  	[sflag:s29] =	ssyncadd.s32 $0xFFFFFFFF  }
0xb4: {  	_ =	strace $0x90000048  }
0xb5: {  	_ =	sfence  }
0xb6: {  	s30 =	sld [smem:$0x0];
	_ =	sdelay $0x2  }
0xb7: {  	s31 =	sshll.u32 s1, $0xD;
	s1 =	sshrl.u32 s1, $0x2  }
0xb8: {  	s3 =	sand.u32 $0x4000, s31;
	s1 =	sadd.s32 s1, s30  }
0xb9: {  	s0 =	sor.u32 s3, s0;
	s1 =	sshll.u32 s1, $0x11  }
0xba: {  	s0 =	sor.u32 s1, s0  }
0xbb: {  	s0 =	sadd.s32 $0x8F2B, s0  }
0xbc: {  	[sflag:s0] =	ssyncadd.remote.s32 $0x1  }
0xbd: {  	_ =	sfence.sel $0xFFFF  }
0xbe: {  	[dreg:$0x0] =	wrdreg $0xFFFFFFFF;
	(pc) =	sbr.abs _section_cstart, $3  }
0xbf: {  	[dreg:$0x1] =	wrdreg $0xFFFFFFFF  }
0xc0: {  	_ =	task.clear_ibuf [dreg:s6], $0x2FFFF;
	_ =	strace $0x9FFFFFFF  }
0xc1: {  	(tm) =	ssettm $0x7FFFFFFF  }
tec
execute0_lowered:
.L_overlay_start_1:
0x0: {  	(tag) =	ssettag $0x1  }
0x1: {  	s1 =	srdreg.scid  }
0x2: {  	s0 =	stileid.u32;
	s24 =	sand.u32 $0x1, s1  }
0x3: {  	s30 =	sshll.u32 s0, $0xC;
	s2 =	sshll.u32 s24, $0xB  }
0x4: {  	s10 =	rddreg [dreg:$0x0];
	s11 =	sor.u32 s2, s30  }
0x5: {  	s1 =	rddreg [dreg:$0x1];
	s2 =	simm.s32 $0x0;
	s3 =	sshrl.u32 s11, $0x3  }
0x6: {  	[smem:$0x7FF] =	sst s2;
	s3 =	sadd.s32 s3, s10  }
0x7: {  	_ =	strace $0x80000047;
	s4 =	sadd.s32 $0xF62000, s3;
	s3 =	simm.s32 $0x3  }
0x8: {  	[tilespmem:s2], [sflag:$0x3] =	stream.linear.gather [hbm4b:s4+s2], $0x800, $0x38;
	[tilespmem:$0x10800] =	vst v63  }
0x9: {  	_ =	swait.ge [sflag:s3], $0x800  }
0xa: {  	s6 =	simm.s32 $0x100;
	[sflag:s3] =	ssyncset.done $0x0  }
0xb: {  	s7 =	simm.s32 $0x800;
	s5 =	sadd.s32 $0x2000, s10;
	[sflag:s3] =	ssyncadd.s32 $0xFFFFF800  }
0xc: {  	[tilespmem:s7], [sflag:$0x1] =	stream.indirect.gather [hbm4b:s5+s6], $0x80, s2, s6, $0xb8;
	[tilespmem:$0x10800] =	vst v63  }
0xd: {  	s8 =	simm.s32 $0x8800;
	s9 =	simm.s32 $0x1  }
0xe: {  	[tilespmem:s8], [sflag:$0x2] =	stream.indirect.gather [hbm4b:s5+s6], $0x80, s6, s6, $0xb8;
	[tilespmem:$0x10800] =	vst v63  }
0xf: {  	s11 =	sshll.u32 s11, $0x4;
	_ =	swait.ge [sflag:s9], $0x8000  }
0x10: {  	s25 =	sadd.s32 s11, s10;
	[sflag:s9] =	ssyncset.done $0x0  }
0x11: {  	s10 =	sadd.s32 $0xF64000, s25;
	[sflag:s9] =	ssyncadd.s32 $0xFFFF8000  }
0x12: {  	[hbm4b:s10+s2] =	stream.linear.scatter [tilespmem:s7], [sflag:$0x3], $0x8000, $0x38;
	[tilespmem:$0x10800] =	vst v63  }
0x13: {  	_ =	swait.ge [sflag:s3], $0x8000  }
0x14: {  	[sflag:s3] =	ssyncset.done $0x0  }
0x15: {  	s12 =	simm.s32 $0x2;
	s11 =	simm.s32 $0x200;
	[sflag:s3] =	ssyncadd.s32 $0xFFFF8000  }
0x16: {  	[tilespmem:s7], [sflag:$0x1] =	stream.indirect.gather [hbm4b:s5+s6], $0x80, s11, s6, $0xb8;
	[tilespmem:$0x10800] =	vst v63  }
0x17: {  	_ =	swait.ge [sflag:s12], $0x8000  }
0x18: {  	[sflag:s12] =	ssyncset.done $0x0  }
0x19: {  	s13 =	sadd.s32 $0xF65000, s25;
	[sflag:s12] =	ssyncadd.s32 $0xFFFF8000  }
0x1a: {  	[hbm4b:s13+s2] =	stream.linear.scatter [tilespmem:s8], [sflag:$0x3], $0x8000, $0x38;
	[tilespmem:$0x10800] =	vst v63  }
0x1b: {  	_ =	swait.ge [sflag:s3], $0x8000  }
0x1c: {  	[sflag:s3] =	ssyncset.done $0x0  }
0x1d: {  	s14 =	simm.s32 $0x300;
	[sflag:s3] =	ssyncadd.s32 $0xFFFF8000  }
0x1e: {  	[tilespmem:s8], [sflag:$0x2] =	stream.indirect.gather [hbm4b:s5+s6], $0x80, s14, s6, $0xb8;
	[tilespmem:$0x10800] =	vst v63  }
0x1f: {  	_ =	swait.ge [sflag:s9], $0x8000  }
0x20: {  	[sflag:s9] =	ssyncset.done $0x0  }
0x21: {  	s15 =	sadd.s32 $0xF66000, s25;
	[sflag:s9] =	ssyncadd.s32 $0xFFFF8000  }
0x22: {  	[hbm4b:s15+s2] =	stream.linear.scatter [tilespmem:s7], [sflag:$0x3], $0x8000, $0x38;
	[tilespmem:$0x10800] =	vst v63  }
0x23: {  	_ =	swait.ge [sflag:s3], $0x8000  }
0x24: {  	[sflag:s3] =	ssyncset.done $0x0  }
0x25: {  	s16 =	simm.s32 $0x400;
	[sflag:s3] =	ssyncadd.s32 $0xFFFF8000  }
0x26: {  	[tilespmem:s7], [sflag:$0x1] =	stream.indirect.gather [hbm4b:s5+s6], $0x80, s16, s6, $0xb8;
	[tilespmem:$0x10800] =	vst v63  }
0x27: {  	_ =	swait.ge [sflag:s12], $0x8000  }
0x28: {  	[sflag:s12] =	ssyncset.done $0x0  }
0x29: {  	s17 =	sadd.s32 $0xF67000, s25;
	[sflag:s12] =	ssyncadd.s32 $0xFFFF8000  }
0x2a: {  	[hbm4b:s17+s2] =	stream.linear.scatter [tilespmem:s8], [sflag:$0x3], $0x8000, $0x38;
	[tilespmem:$0x10800] =	vst v63  }
0x2b: {  	_ =	swait.ge [sflag:s3], $0x8000  }
0x2c: {  	[sflag:s3] =	ssyncset.done $0x0  }
0x2d: {  	s18 =	simm.s32 $0x500;
	[sflag:s3] =	ssyncadd.s32 $0xFFFF8000  }
0x2e: {  	[tilespmem:s8], [sflag:$0x2] =	stream.indirect.gather [hbm4b:s5+s6], $0x80, s18, s6, $0xb8;
	[tilespmem:$0x10800] =	vst v63  }
0x2f: {  	_ =	swait.ge [sflag:s9], $0x8000  }
0x30: {  	[sflag:s9] =	ssyncset.done $0x0  }
0x31: {  	s19 =	sadd.s32 $0xF68000, s25;
	[sflag:s9] =	ssyncadd.s32 $0xFFFF8000  }
0x32: {  	[hbm4b:s19+s2] =	stream.linear.scatter [tilespmem:s7], [sflag:$0x3], $0x8000, $0x38;
	[tilespmem:$0x10800] =	vst v63  }
0x33: {  	_ =	swait.ge [sflag:s3], $0x8000  }
0x34: {  	[sflag:s3] =	ssyncset.done $0x0  }
0x35: {  	s20 =	simm.s32 $0x600;
	[sflag:s3] =	ssyncadd.s32 $0xFFFF8000  }
0x36: {  	[tilespmem:s7], [sflag:$0x1] =	stream.indirect.gather [hbm4b:s5+s6], $0x80, s20, s6, $0xb8;
	[tilespmem:$0x10800] =	vst v63  }
0x37: {  	_ =	swait.ge [sflag:s12], $0x8000  }
0x38: {  	[sflag:s12] =	ssyncset.done $0x0  }
0x39: {  	s21 =	sadd.s32 $0xF69000, s25;
	[sflag:s12] =	ssyncadd.s32 $0xFFFF8000  }
0x3a: {  	[hbm4b:s21+s2] =	stream.linear.scatter [tilespmem:s8], [sflag:$0x3], $0x8000, $0x38;
	[tilespmem:$0x10800] =	vst v63  }
0x3b: {  	_ =	swait.ge [sflag:s3], $0x8000  }
0x3c: {  	[sflag:s3] =	ssyncset.done $0x0  }
0x3d: {  	s22 =	simm.s32 $0x700;
	[sflag:s3] =	ssyncadd.s32 $0xFFFF8000  }
0x3e: {  	[tilespmem:s8], [sflag:$0x2] =	stream.indirect.gather [hbm4b:s5+s6], $0x80, s22, s6, $0xb8;
	[tilespmem:$0x10800] =	vst v63  }
0x3f: {  	_ =	swait.ge [sflag:s9], $0x8000  }
0x40: {  	[sflag:s9] =	ssyncset.done $0x0  }
0x41: {  	s24 =	ssub.s32 $0x2, s24;
	s23 =	sadd.s32 $0xF6A000, s25;
	[sflag:s9] =	ssyncadd.s32 $0xFFFF8000  }
0x42: {  	[hbm4b:s23+s2] =	stream.linear.scatter [tilespmem:s7], [sflag:$0x3], $0x8000, $0x38;
	[tilespmem:$0x10800] =	vst v63  }
0x43: {  	s26 =	sshrl.u32 s24, $0x1;
	_ =	swait.ge [sflag:s3], $0x8000  }
0x44: {  	s26 =	ssub.s32 s24, s26;
	[sflag:s3] =	ssyncset.done $0x0  }
0x45: {  	s31 =	smax.u32 s26, $0x1;
	[sflag:s3] =	ssyncadd.s32 $0xFFFF8000  }
0x46: {  	p0 =	sne.s32 s31, $0x1;
	_ =	swait.ge [sflag:s12], $0x8000  }
.Ltmp0:
0x47: {  	[sflag:s12] =	ssyncset.done $0x0;
	(pc) =	sbr.rel @!p0 .LBB2_2-.Ltmp0, $4  }
0x48: {  	s24 =	sadd.s32 $0xF6B000, s25;
	[sflag:s12] =	ssyncadd.s32 $0xFFFF8000  }
0x49: {  	[hbm4b:s24+s2] =	stream.linear.scatter [tilespmem:s8], [sflag:$0x3], $0x8000, $0x38;
	[tilespmem:$0x10800] =	vst v63  }
0x4a: {  	_ =	swait.ge [sflag:s3], $0x8000  }
0x4b: {  	s25 =	sadd.s32 $0xFFFFFFFF, s31;
	[sflag:s3] =	ssyncset.done $0x0  }
.LBB2_1:
0x4c: {  	p0 =	sne.s32 s25, $0x1;
	s25 =	sadd.s32 $0xFFFFFFFF, s25;
	[sflag:s3] =	ssyncadd.s32 $0xFFFF8000  }
0x4d: {  	[tilespmem:s2], [sflag:$0x3] =	stream.linear.gather [hbm4b:s4+s2], $0x800, $0x38;
	[tilespmem:$0x10800] =	vst v63  }
0x4e: {  	_ =	swait.ge [sflag:s3], $0x800  }
0x4f: {  	[sflag:s3] =	ssyncset.done $0x0  }
0x50: {  	[sflag:s3] =	ssyncadd.s32 $0xFFFFF800  }
0x51: {  	[tilespmem:s7], [sflag:$0x1] =	stream.indirect.gather [hbm4b:s5+s6], $0x80, s2, s6, $0xb8;
	[tilespmem:$0x10800] =	vst v63  }
0x52: {  	_ = 	snop  }
0x53: {  	[tilespmem:s8], [sflag:$0x2] =	stream.indirect.gather [hbm4b:s5+s6], $0x80, s6, s6, $0xb8;
	[tilespmem:$0x10800] =	vst v63  }
0x54: {  	_ =	swait.ge [sflag:s9], $0x8000  }
0x55: {  	[sflag:s9] =	ssyncset.done $0x0  }
0x56: {  	[sflag:s9] =	ssyncadd.s32 $0xFFFF8000  }
0x57: {  	[hbm4b:s10+s2] =	stream.linear.scatter [tilespmem:s7], [sflag:$0x3], $0x8000, $0x38;
	[tilespmem:$0x10800] =	vst v63  }
0x58: {  	_ =	swait.ge [sflag:s3], $0x8000  }
0x59: {  	[sflag:s3] =	ssyncset.done $0x0  }
0x5a: {  	[sflag:s3] =	ssyncadd.s32 $0xFFFF8000  }
0x5b: {  	[tilespmem:s7], [sflag:$0x1] =	stream.indirect.gather [hbm4b:s5+s6], $0x80, s11, s6, $0xb8;
	[tilespmem:$0x10800] =	vst v63  }
0x5c: {  	_ =	swait.ge [sflag:s12], $0x8000  }
0x5d: {  	[sflag:s12] =	ssyncset.done $0x0  }
0x5e: {  	[sflag:s12] =	ssyncadd.s32 $0xFFFF8000  }
0x5f: {  	[hbm4b:s13+s2] =	stream.linear.scatter [tilespmem:s8], [sflag:$0x3], $0x8000, $0x38;
	[tilespmem:$0x10800] =	vst v63  }
0x60: {  	_ =	swait.ge [sflag:s3], $0x8000  }
0x61: {  	[sflag:s3] =	ssyncset.done $0x0  }
0x62: {  	[sflag:s3] =	ssyncadd.s32 $0xFFFF8000  }
0x63: {  	[tilespmem:s8], [sflag:$0x2] =	stream.indirect.gather [hbm4b:s5+s6], $0x80, s14, s6, $0xb8;
	[tilespmem:$0x10800] =	vst v63  }
0x64: {  	_ =	swait.ge [sflag:s9], $0x8000  }
0x65: {  	[sflag:s9] =	ssyncset.done $0x0  }
0x66: {  	[sflag:s9] =	ssyncadd.s32 $0xFFFF8000  }
0x67: {  	[hbm4b:s15+s2] =	stream.linear.scatter [tilespmem:s7], [sflag:$0x3], $0x8000, $0x38;
	[tilespmem:$0x10800] =	vst v63  }
0x68: {  	_ =	swait.ge [sflag:s3], $0x8000  }
0x69: {  	[sflag:s3] =	ssyncset.done $0x0  }
0x6a: {  	[sflag:s3] =	ssyncadd.s32 $0xFFFF8000  }
0x6b: {  	[tilespmem:s7], [sflag:$0x1] =	stream.indirect.gather [hbm4b:s5+s6], $0x80, s16, s6, $0xb8;
	[tilespmem:$0x10800] =	vst v63  }
0x6c: {  	_ =	swait.ge [sflag:s12], $0x8000  }
0x6d: {  	[sflag:s12] =	ssyncset.done $0x0  }
0x6e: {  	[sflag:s12] =	ssyncadd.s32 $0xFFFF8000  }
0x6f: {  	[hbm4b:s17+s2] =	stream.linear.scatter [tilespmem:s8], [sflag:$0x3], $0x8000, $0x38;
	[tilespmem:$0x10800] =	vst v63  }
0x70: {  	_ =	swait.ge [sflag:s3], $0x8000  }
0x71: {  	[sflag:s3] =	ssyncset.done $0x0  }
0x72: {  	[sflag:s3] =	ssyncadd.s32 $0xFFFF8000  }
0x73: {  	[tilespmem:s8], [sflag:$0x2] =	stream.indirect.gather [hbm4b:s5+s6], $0x80, s18, s6, $0xb8;
	[tilespmem:$0x10800] =	vst v63  }
0x74: {  	_ =	swait.ge [sflag:s9], $0x8000  }
0x75: {  	[sflag:s9] =	ssyncset.done $0x0  }
0x76: {  	[sflag:s9] =	ssyncadd.s32 $0xFFFF8000  }
0x77: {  	[hbm4b:s19+s2] =	stream.linear.scatter [tilespmem:s7], [sflag:$0x3], $0x8000, $0x38;
	[tilespmem:$0x10800] =	vst v63  }
0x78: {  	_ =	swait.ge [sflag:s3], $0x8000  }
0x79: {  	[sflag:s3] =	ssyncset.done $0x0  }
0x7a: {  	[sflag:s3] =	ssyncadd.s32 $0xFFFF8000  }
0x7b: {  	[tilespmem:s7], [sflag:$0x1] =	stream.indirect.gather [hbm4b:s5+s6], $0x80, s20, s6, $0xb8;
	[tilespmem:$0x10800] =	vst v63  }
0x7c: {  	_ =	swait.ge [sflag:s12], $0x8000  }
0x7d: {  	[sflag:s12] =	ssyncset.done $0x0  }
0x7e: {  	[sflag:s12] =	ssyncadd.s32 $0xFFFF8000  }
0x7f: {  	[hbm4b:s21+s2] =	stream.linear.scatter [tilespmem:s8], [sflag:$0x3], $0x8000, $0x38;
	[tilespmem:$0x10800] =	vst v63  }
0x80: {  	_ =	swait.ge [sflag:s3], $0x8000  }
0x81: {  	[sflag:s3] =	ssyncset.done $0x0  }
0x82: {  	[sflag:s3] =	ssyncadd.s32 $0xFFFF8000  }
0x83: {  	[tilespmem:s8], [sflag:$0x2] =	stream.indirect.gather [hbm4b:s5+s6], $0x80, s22, s6, $0xb8;
	[tilespmem:$0x10800] =	vst v63  }
0x84: {  	_ =	swait.ge [sflag:s9], $0x8000  }
0x85: {  	[sflag:s9] =	ssyncset.done $0x0  }
0x86: {  	[sflag:s9] =	ssyncadd.s32 $0xFFFF8000  }
0x87: {  	[hbm4b:s23+s2] =	stream.linear.scatter [tilespmem:s7], [sflag:$0x3], $0x8000, $0x38;
	[tilespmem:$0x10800] =	vst v63  }
0x88: {  	_ =	swait.ge [sflag:s3], $0x8000  }
0x89: {  	[sflag:s3] =	ssyncset.done $0x0  }
0x8a: {  	[sflag:s3] =	ssyncadd.s32 $0xFFFF8000  }
0x8b: {  	_ =	swait.ge [sflag:s12], $0x8000  }
.Ltmp1:
0x8c: {  	[sflag:s12] =	ssyncset.done $0x0;
	(pc) =	sbr.rel @p0 .LBB2_1-.Ltmp1, $4  }
0x8d: {  	[sflag:s12] =	ssyncadd.s32 $0xFFFF8000  }
0x8e: {  	[hbm4b:s24+s2] =	stream.linear.scatter [tilespmem:s8], [sflag:$0x3], $0x8000, $0x38;
	[tilespmem:$0x10800] =	vst v63  }
0x8f: {  	_ =	swait.ge [sflag:s3], $0x8000  }
0x90: {  	[sflag:s3] =	ssyncset.done $0x0  }
.LBB2_2:
0x91: {  	[sflag:s3] =	ssyncadd.s32 $0xFFFF8000  }
0x92: {  	_ =	sfence.sel $0x180000  }
0x93: {  	[bflag:$0x0] =	sbarrier.arrive $0xFFFF  }
0x94: {  	p0 =	sne.s32 s0, $0x0;
	_ =	strace $0x90000047  }
0x95: {  	s0 =	sadd.s32 @!p0 $0x100000, s1;
	[bflag:$0x2] =	sbarrier.arrive $0xFFFF  }
0x96: {  	[sflag:s0] =	ssyncadd.tile.s32 @!p0 $0x1;
	_ =	shalt  }
.Lfunc_end2:
_tile_overlayer_lowered:
.L_overlay_start_2:
0x97: {  	(tag) =	ssettag $0x2  }
0x98: {  	s0 =	rddreg [dreg:$0x0];
	s2 =	stileid.u32  }
0x99: {  	s1 =	rddreg [dreg:$0x1];
	p0 =	sne.s32 s2, $0x0  }
0x9a: {  	s3 =	rddreg [dreg:$0x2];
	[bflag:$0x3] =	sbarrier.arrive $0xFFFF;
	s2 =	simm.s32 @!p0 $0x1C03  }
0x9b: {  	[timem:s3], [sflag:s2] =	dma.local @!p0 [hbm:s0], s1  }
0x9c: {  	s0 =	simm.s32 @!p0 $0x3  }
0x9d: {  	_ =	swait.ge @!p0 [sflag:s0], s1  }
0x9e: {  	s1 =	ssub.s32 @!p0 $0x0, s1;
	[sflag:s0] =	ssyncset.done @!p0 $0x0  }
0x9f: {  	[sflag:s0] =	ssyncadd.s32 @!p0 s1  }
0xa0: {  	[bflag:$0x3] =	sbarrier.arrive $0xFFFF  }
0xa1: {  	_ =	shalt  }

</sc_bundles>
